<compile_context>
chip_gen: v7x
topology: tpu7x:2x2x1
jax: 0.10.2.dev20260603
libtpu: 0.0.44.dev20260713+nightly
codegen_flags: <defaults>
</compile_context>

<pallas_src>
import functools

import jax
import jax.numpy as jnp
from jax import lax
from jax.experimental import pallas as pl
from jax.experimental.pallas import tpu as pltpu
from jax.experimental.pallas import tpu_sc as plsc

SILU_GAIN = 1.6765
_NC = 2
_NS = 16


def _silu_tanh(x):
    return x * (0.5 * jnp.tanh(0.5 * x) + 0.5)


def _sc_charge_gather(charges, senders, receivers):
    N = charges.shape[0]
    E = senders.shape[0]
    nw = _NC * _NS
    per = E // nw
    L = 16
    assert E % nw == 0 and per % L == 0

    mesh = plsc.VectorSubcoreMesh(
        core_axis_name="c", subcore_axis_name="s",
        num_cores=_NC, num_subcores=_NS)

    @functools.partial(
        pl.kernel,
        out_type=(jax.ShapeDtypeStruct((E,), jnp.int32),
                  jax.ShapeDtypeStruct((E,), jnp.int32)),
        mesh=mesh,
        compiler_params=pltpu.CompilerParams(needs_layout_passes=False),
        scratch_types=[
            pltpu.VMEM((N,), jnp.int32),
            pltpu.VMEM((per,), jnp.int32),
            pltpu.VMEM((per,), jnp.int32),
            pltpu.VMEM((per,), jnp.int32),
            pltpu.VMEM((per,), jnp.int32),
            pltpu.SemaphoreType.DMA,
            pltpu.SemaphoreType.DMA,
            pltpu.SemaphoreType.DMA,
        ],
    )
    def k(charges_hbm, senders_hbm, receivers_hbm, cs_hbm, cr_hbm,
          table_v, idx_s, idx_r, out_s, out_r, sem_t, sem_s, sem_r):
        wid = lax.axis_index("s") * _NC + lax.axis_index("c")
        base = wid * per
        sl = pl.ds(base, per)
        cp_t = pltpu.async_copy(charges_hbm, table_v, sem_t)
        cp_s = pltpu.async_copy(senders_hbm.at[sl], idx_s, sem_s)
        cp_r = pltpu.async_copy(receivers_hbm.at[sl], idx_r, sem_r)
        cp_t.wait()

        def gather_loop(idx_v, out_v):
            def body(i, carry):
                s = pl.ds(i * L, L)
                out_v[s] = plsc.load_gather(table_v, [idx_v[s]])
                return carry
            lax.fori_loop(0, per // L, body, 0)

        cp_s.wait()
        gather_loop(idx_s, out_s)
        w_s = pltpu.async_copy(out_s, cs_hbm.at[sl], sem_s)
        cp_r.wait()
        gather_loop(idx_r, out_r)
        w_r = pltpu.async_copy(out_r, cr_hbm.at[sl], sem_r)
        w_s.wait()
        w_r.wait()

    return k(charges, senders, receivers)


def _tc_main(rbf_t, cs, cr, emb_pad, w_s, w_r, w_rbf, b_rbf, w_q, b_out,
             block_e):
    n_rbf, E = rbf_t.shape
    emb = w_s.shape[1]
    C = emb_pad.shape[0]
    G = E // block_e
    dn_t = (((0,), (0,)), ((), ()))

    def body(cs_ref, cr_ref, rbf_ref, emb_ref, ws_ref, wr_ref, wrbf_ref,
             brbf_ref, wq_ref, bout_ref, out_ref, tbl_ref):
        @pl.when(pl.program_id(0) == 0)
        def _():
            tbl_ref[0:C, :] = jnp.dot(
                emb_ref[...], ws_ref[...],
                preferred_element_type=jnp.float32).astype(jnp.bfloat16)
            tbl_ref[C:2 * C, :] = jnp.dot(
                emb_ref[...], wr_ref[...],
                preferred_element_type=jnp.float32).astype(jnp.bfloat16)
            tbl_ref[2 * C:, :] = (wq_ref[...] * SILU_GAIN).astype(jnp.bfloat16)

        off = pl.program_id(0) * block_e
        cs = cs_ref[pl.ds(off, block_e)]
        cr = cr_ref[pl.ds(off, block_e)]
        iot = lax.broadcasted_iota(jnp.int32, (block_e, C), 1)
        oh_s = (iot == cs[:, None]).astype(jnp.bfloat16)
        oh_r = (iot == cr[:, None]).astype(jnp.bfloat16)
        z1 = lax.dot_general(rbf_ref[...], wrbf_ref[...], dn_t,
                             preferred_element_type=jnp.float32) + brbf_ref[...]
        r1 = _silu_tanh(z1).astype(jnp.bfloat16)
        h = jnp.concatenate([oh_s, oh_r, r1], axis=1)
        z = (jnp.dot(h, tbl_ref[...], preferred_element_type=jnp.float32)
             + bout_ref[...])
        out_ref[...] = _silu_tanh(z) * SILU_GAIN

    return pl.pallas_call(
        body,
        grid=(G,),
        compiler_params=pltpu.CompilerParams(
            fuse_transposed_lhs_in_matmul=True),
        in_specs=[
            pl.BlockSpec((E,), lambda i: (0,)),
            pl.BlockSpec((E,), lambda i: (0,)),
            pl.BlockSpec((n_rbf, block_e), lambda i: (0, i)),
            pl.BlockSpec((C, emb), lambda i: (0, 0)),
            pl.BlockSpec((emb, emb), lambda i: (0, 0)),
            pl.BlockSpec((emb, emb), lambda i: (0, 0)),
            pl.BlockSpec((n_rbf, emb), lambda i: (0, 0)),
            pl.BlockSpec((1, emb), lambda i: (0, 0)),
            pl.BlockSpec((emb, emb), lambda i: (0, 0)),
            pl.BlockSpec((1, emb), lambda i: (0, 0)),
        ],
        out_specs=pl.BlockSpec((block_e, emb), lambda i: (i, 0)),
        out_shape=jax.ShapeDtypeStruct((E, emb), jnp.float32),
        scratch_shapes=[
            pltpu.VMEM((2 * C + emb, emb), jnp.bfloat16),
        ],
    )(cs, cr, rbf_t, emb_pad, w_s, w_r, w_rbf, b_rbf, w_q, b_out)


def kernel(rbf, charges, differences, senders, receivers,
           embed_table, W_rbf, b_rbf, W_out, b_out):
    del differences
    E, n_rbf = rbf.shape
    emb = embed_table.shape[1]

    charges = charges.astype(jnp.int32)
    senders = senders.astype(jnp.int32)
    receivers = receivers.astype(jnp.int32)

    cs, cr = _sc_charge_gather(charges, senders, receivers)

    block_e = 16000

    C = 128
    emb_pad = jnp.zeros((C, emb), jnp.float32).at[:embed_table.shape[0]].set(
        embed_table)
    w_s = W_out[:emb]
    w_r = W_out[emb:2 * emb]
    w_q = W_out[2 * emb:]

    rbf_t = rbf.T.astype(jnp.bfloat16)
    return _tc_main(rbf_t, cs, cr, emb_pad, w_s, w_r,
                    W_rbf.astype(jnp.bfloat16), b_rbf.reshape(1, emb),
                    w_q, b_out.reshape(1, emb), block_e)

# --- scband reference (transcript-rebuilt; emitter-appended) ---
"""Pipeline reference for scband-edge-embedding-84026740179769 (READ-ONLY COPY).

The authoritative reference and input builder live on the scoring server;
editing this copy changes nothing except your own understanding.
"""

import jax, jax.numpy as jnp
import numpy as np

SILU_GAIN = 1.6765  # variance-preserving gain for SiLU (ActivationWithGain)

def _act(x):
    return jax.nn.silu(x) * SILU_GAIN

def setup_inputs(seed: int = 0) -> dict:
    key = jax.random.key(seed)
    ks = jax.random.split(key, 10)
    E = 320000
    N = 10000
    emb = 128
    n_rbf = 16
    rbf = jax.random.normal(ks[0], (E, n_rbf), dtype=jnp.float32)
    charges = jax.random.randint(ks[1], (N,), 0, 95, dtype=jnp.int64)
    differences = jax.random.normal(ks[2], (E, 3), dtype=jnp.float32)
    senders = jax.random.randint(ks[3], (E,), 0, N, dtype=jnp.int64)
    receivers = jax.random.randint(ks[4], (E,), 0, N, dtype=jnp.int64)
    # learned parameters
    embed_table = jax.random.normal(ks[5], (95, emb), dtype=jnp.float32)
    W_rbf = jax.random.normal(ks[6], (n_rbf, emb), dtype=jnp.float32) * (1.0 / np.sqrt(n_rbf))
    b_rbf = jnp.zeros((emb,), dtype=jnp.float32)
    W_out = jax.random.normal(ks[7], (3 * emb, emb), dtype=jnp.float32) * (1.0 / np.sqrt(3 * emb))
    b_out = jnp.zeros((emb,), dtype=jnp.float32)
    return {"rbf": rbf, "charges": charges, "differences": differences,
            "senders": senders, "receivers": receivers,
            "embed_table": embed_table, "W_rbf": W_rbf, "b_rbf": b_rbf,
            "W_out": W_out, "b_out": b_out}

def reference(rbf, charges, differences, senders, receivers,
              embed_table, W_rbf, b_rbf, W_out, b_out):
    # x = Embed(95, embedding)(charges)
    x = jnp.take(embed_table, charges, axis=0)
    # rbf = act(Dense(embedding)(rbf))
    rbf_e = _act(rbf @ W_rbf + b_rbf)
    # directional=False branch: concat gathered node embeddings with rbf embedding
    h = jnp.concatenate([x[senders], x[receivers], rbf_e], axis=-1)
    return _act(h @ W_out + b_out)

if __name__ == "__main__":
    import jax
    _d = setup_inputs()
    print(jax.jit(kernel)(*tuple(_d.values())))

</pallas_src>

<mosaic_0001>
#map = affine_map<(d0, d1) -> (0)>
module attributes {stable_mosaic.version = 14 : i64} {
  func.func @k(%arg0: i32, %arg1: i32, %arg2: memref<10000xi32, #tpu.memory_space<hbm>>, %arg3: memref<320000xi32, #tpu.memory_space<hbm>>, %arg4: memref<320000xi32, #tpu.memory_space<hbm>>, %arg5: memref<320000xi32, #tpu.memory_space<hbm>>, %arg6: memref<320000xi32, #tpu.memory_space<hbm>>, %arg7: memref<10000xi32, #tpu.memory_space<vmem>>, %arg8: memref<10000xi32, #tpu.memory_space<vmem>>, %arg9: memref<10000xi32, #tpu.memory_space<vmem>>, %arg10: memref<10000xi32, #tpu.memory_space<vmem>>, %arg11: memref<10000xi32, #tpu.memory_space<vmem>>, %arg12: memref<!tpu.dma_semaphore, #tpu.memory_space<semaphore_mem>>, %arg13: memref<!tpu.dma_semaphore, #tpu.memory_space<semaphore_mem>>, %arg14: memref<!tpu.dma_semaphore, #tpu.memory_space<semaphore_mem>>) attributes {dimension_semantics = [#tpu.dimension_semantics<core_parallel>, #tpu.dimension_semantics<subcore_parallel>], iteration_bounds = array<i64: 2, 16>, scalar_prefetch = 0 : i64, scratch_operands = 8 : i64, tpu.core_type = #tpu.core_type<sc_vector_subcore>, window_params = [{transform_indices = #map}, {transform_indices = #map}, {transform_indices = #map}, {transform_indices = #map}, {transform_indices = #map}]} {
    %mul3A = arith.constant 2 : i32
    %mul3A_0 = arith.muli %arg1, %mul3A : i32
    %add3A = arith.addi %mul3A_0, %arg0 : i32
    %mul3A_1 = arith.constant 10000 : i32
    %mul3A_2 = arith.muli %add3A, %mul3A_1 : i32
    tpu.enqueue_dma source(%arg2 : memref<10000xi32, #tpu.memory_space<hbm>>) target(%arg7 : memref<10000xi32, #tpu.memory_space<vmem>>) target_semaphore(%arg12 : memref<!tpu.dma_semaphore, #tpu.memory_space<semaphore_mem>>)
    %dma_start3A = tpu.memref_slice %arg3[%mul3A_2] : memref<320000xi32, #tpu.memory_space<hbm>> -> memref<10000xi32, #tpu.memory_space<hbm>>
    %dma_start3A_3 = tpu.memref_slice %arg3[%mul3A_2] : memref<320000xi32, #tpu.memory_space<hbm>> -> memref<10000xi32, #tpu.memory_space<hbm>>
    tpu.enqueue_dma source(%dma_start3A_3 : memref<10000xi32, #tpu.memory_space<hbm>>) target(%arg8 : memref<10000xi32, #tpu.memory_space<vmem>>) target_semaphore(%arg13 : memref<!tpu.dma_semaphore, #tpu.memory_space<semaphore_mem>>)
    %dma_start3A_4 = tpu.memref_slice %arg4[%mul3A_2] : memref<320000xi32, #tpu.memory_space<hbm>> -> memref<10000xi32, #tpu.memory_space<hbm>>
    %dma_start3A_5 = tpu.memref_slice %arg4[%mul3A_2] : memref<320000xi32, #tpu.memory_space<hbm>> -> memref<10000xi32, #tpu.memory_space<hbm>>
    tpu.enqueue_dma source(%dma_start3A_5 : memref<10000xi32, #tpu.memory_space<hbm>>) target(%arg9 : memref<10000xi32, #tpu.memory_space<vmem>>) target_semaphore(%arg14 : memref<!tpu.dma_semaphore, #tpu.memory_space<semaphore_mem>>)
    tpu.wait_dma2 semaphore(%arg12 : memref<!tpu.dma_semaphore, #tpu.memory_space<semaphore_mem>>) src(%arg2 : memref<10000xi32, #tpu.memory_space<hbm>>) dst(%arg7 : memref<10000xi32, #tpu.memory_space<vmem>>)
    %dma_wait3A = tpu.memref_slice %arg3[%mul3A_2] : memref<320000xi32, #tpu.memory_space<hbm>> -> memref<10000xi32, #tpu.memory_space<hbm>>
    %dma_wait3A_6 = tpu.memref_slice %arg3[%mul3A_2] : memref<320000xi32, #tpu.memory_space<hbm>> -> memref<10000xi32, #tpu.memory_space<hbm>>
    tpu.wait_dma2 semaphore(%arg13 : memref<!tpu.dma_semaphore, #tpu.memory_space<semaphore_mem>>) src(%dma_wait3A_6 : memref<10000xi32, #tpu.memory_space<hbm>>) dst(%arg8 : memref<10000xi32, #tpu.memory_space<vmem>>)
    %scan3A = arith.constant 0 : i32
    %scan3A_7 = arith.constant 0 : i32
    %scan3A_8 = arith.constant 625 : i32
    %scan3A_9 = arith.addi %scan3A_7, %scan3A_8 : i32
    %scan3A_10 = arith.constant 1 : i32
    scf.for %scan3A_28 = %scan3A_7 to %scan3A_9 step %scan3A_10  : i32 {
      %mul3A_29 = arith.constant 16 : i32
      %mul3A_30 = arith.muli %scan3A_28, %mul3A_29 : i32
      %get3A = arith.index_cast %mul3A_30 : i32 to index
      %get3A_31 = tpu.vector_load %arg8[%get3A] {strides = array<i32>} : memref<10000xi32, #tpu.memory_space<vmem>>, vector<16xi32>,
      %gather3A = tpu.vector_load_idx %arg7[%get3A_31] : memref<10000xi32, #tpu.memory_space<vmem>>[vector<16xi32>], vector<16xi32>,
      %swap3A = arith.index_cast %mul3A_30 : i32 to index
      %swap3A_32 = tpu.vector_load %arg10[%swap3A] {strides = array<i32>} : memref<10000xi32, #tpu.memory_space<vmem>>, vector<16xi32>,
      tpu.vector_store %arg10[%swap3A], %gather3A {strides = array<i32>} : memref<10000xi32, #tpu.memory_space<vmem>>, vector<16xi32>,
    }
    %scan3A_11 = arith.constant 625 : i32
    %dma_start3A_12 = tpu.memref_slice %arg5[%mul3A_2] : memref<320000xi32, #tpu.memory_space<hbm>> -> memref<10000xi32, #tpu.memory_space<hbm>>
    %dma_start3A_13 = tpu.memref_slice %arg5[%mul3A_2] : memref<320000xi32, #tpu.memory_space<hbm>> -> memref<10000xi32, #tpu.memory_space<hbm>>
    tpu.enqueue_dma source(%arg10 : memref<10000xi32, #tpu.memory_space<vmem>>) target(%dma_start3A_13 : memref<10000xi32, #tpu.memory_space<hbm>>) target_semaphore(%arg13 : memref<!tpu.dma_semaphore, #tpu.memory_space<semaphore_mem>>)
    %dma_wait3A_14 = tpu.memref_slice %arg4[%mul3A_2] : memref<320000xi32, #tpu.memory_space<hbm>> -> memref<10000xi32, #tpu.memory_space<hbm>>
    %dma_wait3A_15 = tpu.memref_slice %arg4[%mul3A_2] : memref<320000xi32, #tpu.memory_space<hbm>> -> memref<10000xi32, #tpu.memory_space<hbm>>
    tpu.wait_dma2 semaphore(%arg14 : memref<!tpu.dma_semaphore, #tpu.memory_space<semaphore_mem>>) src(%dma_wait3A_15 : memref<10000xi32, #tpu.memory_space<hbm>>) dst(%arg9 : memref<10000xi32, #tpu.memory_space<vmem>>)
    %scan3A_16 = arith.constant 0 : i32
    %scan3A_17 = arith.constant 0 : i32
    %scan3A_18 = arith.constant 625 : i32
    %scan3A_19 = arith.addi %scan3A_17, %scan3A_18 : i32
    %scan3A_20 = arith.constant 1 : i32
    scf.for %scan3A_28 = %scan3A_17 to %scan3A_19 step %scan3A_20  : i32 {
      %mul3A_29 = arith.constant 16 : i32
      %mul3A_30 = arith.muli %scan3A_28, %mul3A_29 : i32
      %get3A = arith.index_cast %mul3A_30 : i32 to index
      %get3A_31 = tpu.vector_load %arg9[%get3A] {strides = array<i32>} : memref<10000xi32, #tpu.memory_space<vmem>>, vector<16xi32>,
      %gather3A = tpu.vector_load_idx %arg7[%get3A_31] : memref<10000xi32, #tpu.memory_space<vmem>>[vector<16xi32>], vector<16xi32>,
      %swap3A = arith.index_cast %mul3A_30 : i32 to index
      %swap3A_32 = tpu.vector_load %arg11[%swap3A] {strides = array<i32>} : memref<10000xi32, #tpu.memory_space<vmem>>, vector<16xi32>,
      tpu.vector_store %arg11[%swap3A], %gather3A {strides = array<i32>} : memref<10000xi32, #tpu.memory_space<vmem>>, vector<16xi32>,
    }
    %scan3A_21 = arith.constant 625 : i32
    %dma_start3A_22 = tpu.memref_slice %arg6[%mul3A_2] : memref<320000xi32, #tpu.memory_space<hbm>> -> memref<10000xi32, #tpu.memory_space<hbm>>
    %dma_start3A_23 = tpu.memref_slice %arg6[%mul3A_2] : memref<320000xi32, #tpu.memory_space<hbm>> -> memref<10000xi32, #tpu.memory_space<hbm>>
    tpu.enqueue_dma source(%arg11 : memref<10000xi32, #tpu.memory_space<vmem>>) target(%dma_start3A_23 : memref<10000xi32, #tpu.memory_space<hbm>>) target_semaphore(%arg14 : memref<!tpu.dma_semaphore, #tpu.memory_space<semaphore_mem>>)
    %dma_wait3A_24 = tpu.memref_slice %arg5[%mul3A_2] : memref<320000xi32, #tpu.memory_space<hbm>> -> memref<10000xi32, #tpu.memory_space<hbm>>
    %dma_wait3A_25 = tpu.memref_slice %arg5[%mul3A_2] : memref<320000xi32, #tpu.memory_space<hbm>> -> memref<10000xi32, #tpu.memory_space<hbm>>
    tpu.wait_dma2 semaphore(%arg13 : memref<!tpu.dma_semaphore, #tpu.memory_space<semaphore_mem>>) src(%arg10 : memref<10000xi32, #tpu.memory_space<vmem>>) dst(%dma_wait3A_25 : memref<10000xi32, #tpu.memory_space<hbm>>)
    %dma_wait3A_26 = tpu.memref_slice %arg6[%mul3A_2] : memref<320000xi32, #tpu.memory_space<hbm>> -> memref<10000xi32, #tpu.memory_space<hbm>>
    %dma_wait3A_27 = tpu.memref_slice %arg6[%mul3A_2] : memref<320000xi32, #tpu.memory_space<hbm>> -> memref<10000xi32, #tpu.memory_space<hbm>>
    tpu.wait_dma2 semaphore(%arg14 : memref<!tpu.dma_semaphore, #tpu.memory_space<semaphore_mem>>) src(%arg11 : memref<10000xi32, #tpu.memory_space<vmem>>) dst(%dma_wait3A_27 : memref<10000xi32, #tpu.memory_space<hbm>>)
    return
  }
}

module attributes {stable_mosaic.version = 14 : i64} {
  func.func @body(%arg0: i32, %arg1: memref<320000xi32, #tpu.memory_space<vmem>>, %arg2: memref<320000xi32, #tpu.memory_space<vmem>>, %arg3: memref<16x16000xbf16, #tpu.memory_space<vmem>>, %arg4: memref<128x128xf32, #tpu.memory_space<vmem>>, %arg5: memref<128x128xf32, #tpu.memory_space<vmem>>, %arg6: memref<128x128xf32, #tpu.memory_space<vmem>>, %arg7: memref<16x128xbf16, #tpu.memory_space<vmem>>, %arg8: memref<1x128xf32, #tpu.memory_space<vmem>>, %arg9: memref<128x128xf32, #tpu.memory_space<vmem>>, %arg10: memref<1x128xf32, #tpu.memory_space<vmem>>, %arg11: memref<16000x128xf32, #tpu.memory_space<vmem>>, %arg12: memref<384x128xbf16, #tpu.memory_space<vmem>>) attributes {dimension_semantics = [#tpu.dimension_semantics<arbitrary>], iteration_bounds = array<i64: 20>, scalar_prefetch = 0 : i64, scratch_operands = 1 : i64, tpu.core_type = #tpu.core_type<tc>, window_params = [{pipeline_mode = #tpu.pipeline_mode<synchronous>, transform_indices = @transform_0, window_bounds = array<i64: 320000>}, {pipeline_mode = #tpu.pipeline_mode<synchronous>, transform_indices = @transform_1, window_bounds = array<i64: 320000>}, {transform_indices = @transform_2, window_bounds = array<i64: 16, 16000>}, {pipeline_mode = #tpu.pipeline_mode<synchronous>, transform_indices = @transform_3, window_bounds = array<i64: 128, 128>}, {pipeline_mode = #tpu.pipeline_mode<synchronous>, transform_indices = @transform_4, window_bounds = array<i64: 128, 128>}, {pipeline_mode = #tpu.pipeline_mode<synchronous>, transform_indices = @transform_5, window_bounds = array<i64: 128, 128>}, {pipeline_mode = #tpu.pipeline_mode<synchronous>, transform_indices = @transform_6, window_bounds = array<i64: 16, 128>}, {pipeline_mode = #tpu.pipeline_mode<synchronous>, transform_indices = @transform_7, window_bounds = array<i64: 1, 128>}, {pipeline_mode = #tpu.pipeline_mode<synchronous>, transform_indices = @transform_8, window_bounds = array<i64: 128, 128>}, {pipeline_mode = #tpu.pipeline_mode<synchronous>, transform_indices = @transform_9, window_bounds = array<i64: 1, 128>}, {transform_indices = @transform_10, window_bounds = array<i64: 16000, 128>}]} {
    %eq3A = arith.constant 0 : i32
    %eq3A_0 = arith.cmpi eq, %arg0, %eq3A : i32
    %convert_element_type3A = arith.extui %eq3A_0 : i1 to i32
    %cond3A = arith.constant 0 : i32
    %cond3A_1 = arith.cmpi ne, %convert_element_type3A, %cond3A : i32
    scf.if %cond3A_1 {
      %get3A_65 = arith.constant 0 : index
      %get3A_66 = arith.constant 0 : index
      %get3A_67 = vector.load %arg4[%get3A_65, %get3A_66] : memref<128x128xf32, #tpu.memory_space<vmem>>, vector<128x128xf32>
      %get3A_68 = arith.constant 0 : index
      %get3A_69 = arith.constant 0 : index
      %get3A_70 = vector.load %arg5[%get3A_68, %get3A_69] : memref<128x128xf32, #tpu.memory_space<vmem>>, vector<128x128xf32>
      %dot_general3A_71 = arith.constant dense<0.000000e+00> : vector<128x128xf32>
      %dot_general3A_72 = tpu.matmul %get3A_67, %get3A_70, %dot_general3A_71 {dimension_numbers = #tpu.dot_dimension_numbers<[1], [0], [0], [1], [0, 0, 1, 1], [], []>, transpose_lhs_hint = false} : vector<128x128xf32>, vector<128x128xf32>, vector<128x128xf32> -> vector<128x128xf32>
      %convert_element_type3A_73 = arith.truncf %dot_general3A_72 : vector<128x128xf32> to vector<128x128xbf16>
      %swap3A_74 = arith.constant 0 : index
      %swap3A_75 = arith.constant 0 : index
      %swap3A_76 = vector.load %arg12[%swap3A_74, %swap3A_75] : memref<384x128xbf16, #tpu.memory_space<vmem>>, vector<128x128xbf16>
      tpu.vector_store %arg12[%swap3A_74, %swap3A_75], %convert_element_type3A_73 {strides = array<i32>} : memref<384x128xbf16, #tpu.memory_space<vmem>>, vector<128x128xbf16>,
      %get3A_77 = arith.constant 0 : index
      %get3A_78 = arith.constant 0 : index
      %get3A_79 = vector.load %arg4[%get3A_77, %get3A_78] : memref<128x128xf32, #tpu.memory_space<vmem>>, vector<128x128xf32>
      %get3A_80 = arith.constant 0 : index
      %get3A_81 = arith.constant 0 : index
      %get3A_82 = vector.load %arg6[%get3A_80, %get3A_81] : memref<128x128xf32, #tpu.memory_space<vmem>>, vector<128x128xf32>
      %dot_general3A_83 = arith.constant dense<0.000000e+00> : vector<128x128xf32>
      %dot_general3A_84 = tpu.matmul %get3A_79, %get3A_82, %dot_general3A_83 {dimension_numbers = #tpu.dot_dimension_numbers<[1], [0], [0], [1], [0, 0, 1, 1], [], []>, transpose_lhs_hint = false} : vector<128x128xf32>, vector<128x128xf32>, vector<128x128xf32> -> vector<128x128xf32>
      %convert_element_type3A_85 = arith.truncf %dot_general3A_84 : vector<128x128xf32> to vector<128x128xbf16>
      %swap3A_86 = arith.constant 128 : index
      %swap3A_87 = arith.constant 0 : index
      %swap3A_88 = vector.load %arg12[%swap3A_86, %swap3A_87] : memref<384x128xbf16, #tpu.memory_space<vmem>>, vector<128x128xbf16>
      tpu.vector_store %arg12[%swap3A_86, %swap3A_87], %convert_element_type3A_85 {strides = array<i32>} : memref<384x128xbf16, #tpu.memory_space<vmem>>, vector<128x128xbf16>,
      %get3A_89 = arith.constant 0 : index
      %get3A_90 = arith.constant 0 : index
      %get3A_91 = vector.load %arg9[%get3A_89, %get3A_90] : memref<128x128xf32, #tpu.memory_space<vmem>>, vector<128x128xf32>
      %mul3A_92 = arith.constant 1.676500e+00 : f32
      %mul3A_93 = vector.broadcast %mul3A_92 : f32 to vector<128x128xf32>
      %mul3A_94 = arith.mulf %get3A_91, %mul3A_93 : vector<128x128xf32>
      %convert_element_type3A_95 = arith.truncf %mul3A_94 : vector<128x128xf32> to vector<128x128xbf16>
      %swap3A_96 = arith.constant 256 : index
      %swap3A_97 = arith.constant 0 : index
      %swap3A_98 = vector.load %arg12[%swap3A_96, %swap3A_97] : memref<384x128xbf16, #tpu.memory_space<vmem>>, vector<128x128xbf16>
      tpu.vector_store %arg12[%swap3A_96, %swap3A_97], %convert_element_type3A_95 {strides = array<i32>} : memref<384x128xbf16, #tpu.memory_space<vmem>>, vector<128x128xbf16>,
    } else {
    }
    %mul3A = arith.constant 16000 : i32
    %mul3A_2 = arith.muli %arg0, %mul3A : i32
    %get3A = arith.index_cast %mul3A_2 : i32 to index
    %get3A_3 = vector.load %arg1[%get3A] : memref<320000xi32, #tpu.memory_space<vmem>>, vector<16000xi32>
    %get3A_4 = arith.index_cast %mul3A_2 : i32 to index
    %get3A_5 = vector.load %arg2[%get3A_4] : memref<320000xi32, #tpu.memory_space<vmem>>, vector<16000xi32>
    %iota3A = tpu.iota {dimensions = array<i32: 1>} : vector<16000x128xi32>
    %broadcast_in_dim3A = vector.shape_cast %get3A_3 : vector<16000xi32> to vector<16000x1xi32>
    %eq3A_6 = vector.broadcast %broadcast_in_dim3A : vector<16000x1xi32> to vector<16000x128xi32>
    %eq3A_7 = arith.cmpi eq, %iota3A, %eq3A_6 : vector<16000x128xi32>
    %convert_element_type3A_8 = arith.extui %eq3A_7 : vector<16000x128xi1> to vector<16000x128xi32>
    %convert_element_type3A_9 = arith.sitofp %convert_element_type3A_8 : vector<16000x128xi32> to vector<16000x128xf32>
    %convert_element_type3A_10 = arith.truncf %convert_element_type3A_9 : vector<16000x128xf32> to vector<16000x128xbf16>
    %broadcast_in_dim3A_11 = vector.shape_cast %get3A_5 : vector<16000xi32> to vector<16000x1xi32>
    %eq3A_12 = vector.broadcast %broadcast_in_dim3A_11 : vector<16000x1xi32> to vector<16000x128xi32>
    %eq3A_13 = arith.cmpi eq, %iota3A, %eq3A_12 : vector<16000x128xi32>
    %convert_element_type3A_14 = arith.extui %eq3A_13 : vector<16000x128xi1> to vector<16000x128xi32>
    %convert_element_type3A_15 = arith.sitofp %convert_element_type3A_14 : vector<16000x128xi32> to vector<16000x128xf32>
    %convert_element_type3A_16 = arith.truncf %convert_element_type3A_15 : vector<16000x128xf32> to vector<16000x128xbf16>
    %get3A_17 = arith.constant 0 : index
    %get3A_18 = arith.constant 0 : index
    %get3A_19 = vector.load %arg3[%get3A_17, %get3A_18] : memref<16x16000xbf16, #tpu.memory_space<vmem>>, vector<16x16000xbf16>
    %get3A_20 = arith.constant 0 : index
    %get3A_21 = arith.constant 0 : index
    %get3A_22 = vector.load %arg7[%get3A_20, %get3A_21] : memref<16x128xbf16, #tpu.memory_space<vmem>>, vector<16x128xbf16>
    %dot_general3A = arith.constant dense<0.000000e+00> : vector<16000x128xf32>
    %dot_general3A_23 = tpu.matmul %get3A_19, %get3A_22, %dot_general3A {dimension_numbers = #tpu.dot_dimension_numbers<[0], [0], [1], [1], [0, 1, 1, 1], [], []>, transpose_lhs_hint = true} : vector<16x16000xbf16>, vector<16x128xbf16>, vector<16000x128xf32> -> vector<16000x128xf32>
    %get3A_24 = arith.constant 0 : index
    %get3A_25 = arith.constant 0 : index
    %get3A_26 = vector.load %arg8[%get3A_24, %get3A_25] : memref<1x128xf32, #tpu.memory_space<vmem>>, vector<1x128xf32>
    %add3A = vector.broadcast %get3A_26 : vector<1x128xf32> to vector<16000x128xf32>
    %add3A_27 = arith.addf %dot_general3A_23, %add3A : vector<16000x128xf32>
    %mul3A_28 = arith.constant 5.000000e-01 : f32
    %mul3A_29 = vector.broadcast %mul3A_28 : f32 to vector<16000x128xf32>
    %mul3A_30 = arith.mulf %mul3A_29, %add3A_27 : vector<16000x128xf32>
    %tanh3A = math.tanh %mul3A_30 : vector<16000x128xf32>
    %mul3A_31 = arith.constant 5.000000e-01 : f32
    %mul3A_32 = vector.broadcast %mul3A_31 : f32 to vector<16000x128xf32>
    %mul3A_33 = arith.mulf %mul3A_32, %tanh3A : vector<16000x128xf32>
    %add3A_34 = arith.constant 5.000000e-01 : f32
    %add3A_35 = vector.broadcast %add3A_34 : f32 to vector<16000x128xf32>
    %add3A_36 = arith.addf %mul3A_33, %add3A_35 : vector<16000x128xf32>
    %mul3A_37 = arith.mulf %add3A_27, %add3A_36 : vector<16000x128xf32>
    %convert_element_type3A_38 = arith.truncf %mul3A_37 : vector<16000x128xf32> to vector<16000x128xbf16>
    %concatenate3A = tpu.concatenate %convert_element_type3A_10, %convert_element_type3A_16, %convert_element_type3A_38 in 1 : vector<16000x128xbf16>, vector<16000x128xbf16>, vector<16000x128xbf16> -> vector<16000x384xbf16>
    %get3A_39 = arith.constant 0 : index
    %get3A_40 = arith.constant 0 : index
    %get3A_41 = vector.load %arg12[%get3A_39, %get3A_40] : memref<384x128xbf16, #tpu.memory_space<vmem>>, vector<384x128xbf16>
    %dot_general3A_42 = arith.constant dense<0.000000e+00> : vector<16000x128xf32>
    %dot_general3A_43 = tpu.matmul %concatenate3A, %get3A_41, %dot_general3A_42 {dimension_numbers = #tpu.dot_dimension_numbers<[1], [0], [0], [1], [0, 0, 1, 1], [], []>, transpose_lhs_hint = false} : vector<16000x384xbf16>, vector<384x128xbf16>, vector<16000x128xf32> -> vector<16000x128xf32>
    %get3A_44 = arith.constant 0 : index
    %get3A_45 = arith.constant 0 : index
    %get3A_46 = vector.load %arg10[%get3A_44, %get3A_45] : memref<1x128xf32, #tpu.memory_space<vmem>>, vector<1x128xf32>
    %add3A_47 = vector.broadcast %get3A_46 : vector<1x128xf32> to vector<16000x128xf32>
    %add3A_48 = arith.addf %dot_general3A_43, %add3A_47 : vector<16000x128xf32>
    %mul3A_49 = arith.constant 5.000000e-01 : f32
    %mul3A_50 = vector.broadcast %mul3A_49 : f32 to vector<16000x128xf32>
    %mul3A_51 = arith.mulf %mul3A_50, %add3A_48 : vector<16000x128xf32>
    %tanh3A_52 = math.tanh %mul3A_51 : vector<16000x128xf32>
    %mul3A_53 = arith.constant 5.000000e-01 : f32
    %mul3A_54 = vector.broadcast %mul3A_53 : f32 to vector<16000x128xf32>
    %mul3A_55 = arith.mulf %mul3A_54, %tanh3A_52 : vector<16000x128xf32>
    %add3A_56 = arith.constant 5.000000e-01 : f32
    %add3A_57 = vector.broadcast %add3A_56 : f32 to vector<16000x128xf32>
    %add3A_58 = arith.addf %mul3A_55, %add3A_57 : vector<16000x128xf32>
    %mul3A_59 = arith.mulf %add3A_48, %add3A_58 : vector<16000x128xf32>
    %mul3A_60 = arith.constant 1.676500e+00 : f32
    %mul3A_61 = vector.broadcast %mul3A_60 : f32 to vector<16000x128xf32>
    %mul3A_62 = arith.mulf %mul3A_59, %mul3A_61 : vector<16000x128xf32>
    %swap3A = arith.constant 0 : index
    %swap3A_63 = arith.constant 0 : index
    %swap3A_64 = vector.load %arg11[%swap3A, %swap3A_63] : memref<16000x128xf32, #tpu.memory_space<vmem>>, vector<16000x128xf32>
    tpu.vector_store %arg11[%swap3A, %swap3A_63], %mul3A_62 {strides = array<i32>} : memref<16000x128xf32, #tpu.memory_space<vmem>>, vector<16000x128xf32>,
    return
  }
  func.func @transform_0(%arg0: i32) -> i32 {
    %c0_i32 = arith.constant 0 : i32
    %c0_i32_0 = arith.constant 0 : i32
    return %c0_i32 : i32
  }
  func.func @transform_1(%arg0: i32) -> i32 {
    %c0_i32 = arith.constant 0 : i32
    %c0_i32_0 = arith.constant 0 : i32
    return %c0_i32 : i32
  }
  func.func @transform_2(%arg0: i32) -> (i32, i32) {
    %c0_i32 = arith.constant 0 : i32
    %c0_i32_0 = arith.constant 0 : i32
    return %c0_i32, %arg0 : i32, i32
  }
  func.func @transform_3(%arg0: i32) -> (i32, i32) {
    %c0_i32 = arith.constant 0 : i32
    %c0_i32_0 = arith.constant 0 : i32
    %c0_i32_1 = arith.constant 0 : i32
    return %c0_i32, %c0_i32_0 : i32, i32
  }
  func.func @transform_4(%arg0: i32) -> (i32, i32) {
    %c0_i32 = arith.constant 0 : i32
    %c0_i32_0 = arith.constant 0 : i32
    %c0_i32_1 = arith.constant 0 : i32
    return %c0_i32, %c0_i32_0 : i32, i32
  }
  func.func @transform_5(%arg0: i32) -> (i32, i32) {
    %c0_i32 = arith.constant 0 : i32
    %c0_i32_0 = arith.constant 0 : i32
    %c0_i32_1 = arith.constant 0 : i32
    return %c0_i32, %c0_i32_0 : i32, i32
  }
  func.func @transform_6(%arg0: i32) -> (i32, i32) {
    %c0_i32 = arith.constant 0 : i32
    %c0_i32_0 = arith.constant 0 : i32
    %c0_i32_1 = arith.constant 0 : i32
    return %c0_i32, %c0_i32_0 : i32, i32
  }
  func.func @transform_7(%arg0: i32) -> (i32, i32) {
    %c0_i32 = arith.constant 0 : i32
    %c0_i32_0 = arith.constant 0 : i32
    %c0_i32_1 = arith.constant 0 : i32
    return %c0_i32, %c0_i32_0 : i32, i32
  }
  func.func @transform_8(%arg0: i32) -> (i32, i32) {
    %c0_i32 = arith.constant 0 : i32
    %c0_i32_0 = arith.constant 0 : i32
    %c0_i32_1 = arith.constant 0 : i32
    return %c0_i32, %c0_i32_0 : i32, i32
  }
  func.func @transform_9(%arg0: i32) -> (i32, i32) {
    %c0_i32 = arith.constant 0 : i32
    %c0_i32_0 = arith.constant 0 : i32
    %c0_i32_1 = arith.constant 0 : i32
    return %c0_i32, %c0_i32_0 : i32, i32
  }
  func.func @transform_10(%arg0: i32) -> (i32, i32) {
    %c0_i32 = arith.constant 0 : i32
    %c0_i32_0 = arith.constant 0 : i32
    return %arg0, %c0_i32 : i32, i32
  }
}

</mosaic_0001>

<sc_bundles>
// kernel: kernel.4.cloned.1.call-start
scs
__scs_entry_jumppad:
0x0: {  	(pc) =	sbr.rel $0x88, $3  }
0x1: {  	(tag) =	ssettag $0x0;
	lr =	simm.s32 $0x1  }
0x2: {  	[smem:$0x3F98] =	sst lr;
	_ =	strace $0xD0000000  }
0x3: {  	_ = 	snop  }
0x4: {  	_ = 	snop  }
0x5: {  	_ = 	snop  }
0x6: {  	_ = 	snop  }
0x7: {  	_ = 	snop  }
__scs_overlays_trampoline_lowered:
0x8: {  	[smem:$0x3FA7] =	sst s0  }
0x9: {  	[smem:$0x3FA8] =	sst s1  }
0xa: {  	[smem:$0x3FA9] =	sst s2  }
0xb: {  	[smem:$0x3FAA] =	sst s3  }
0xc: {  	[smem:$0x3FAB] =	sst s4  }
0xd: {  	[smem:$0x3FAC] =	sst s5  }
0xe: {  	[smem:$0x3FAD] =	sst s6  }
0xf: {  	[smem:$0x3FAE] =	sst s7  }
0x10: {  	[smem:$0x3FAF] =	sst s8  }
0x11: {  	[smem:$0x3FB0] =	sst s9;
	s0 =	simm.s32 @!p0 $0x0  }
0x12: {  	s1 =	sld [smem:$0x3F96];
	s0 =	simm.s32 @p0 $0x1  }
0x13: {  	[smem:$0x3FB1] =	sst s0;
	s0 =	simm.s32 @!p1 $0x0  }
0x14: {  	s2 =	sld [smem:$0x3F95];
	s0 =	simm.s32 @p1 $0x1  }
0x15: {  	[smem:$0x3FB2] =	sst s0;
	s0 =	simm.s32 @!p2 $0x0  }
0x16: {  	s3 =	sld [smem:$0x3FDB];
	s0 =	simm.s32 @p2 $0x1  }
0x17: {  	s4 =	simm.s32 $0x1BF5;
	[smem:$0x3FB4] =	sst s0  }
0x18: {  	s0 =	sld [smem:$0x3F97];
	_ =	swait.ge [sflag:s4], $0x0  }
0x19: {  	s7 =	sld [smem:$0x3F98]  }
0x1a: {  	s8 =	sadd.s32 $0xFFFFE003, lr  }
0x1b: {  	s9 =	sadd.s32 $0xFFFFFEF7, lr;
	s5 =	simm.s32 $0xFFFFFFFF;
	p2 =	slt.u32 s8, $0xFFFFF086  }
0x1c: {  	p1 =	slt.u32 s9, $0xF7A;
	s5 =	simm.s32 @!p2 $0x0  }
0x1d: {  	s5 =	simm.s32 @p1 $0x1;
	p0 =	seq.s32 s7, s2  }
0x1e: {  	s7 =	smul.u32 @!p0 $0xF7A, s2;
	p2 =	seq.s32 @!p0 s5, $0x0  }
0x1f: {  	s9 =	smul.u32 $0xF7A, s1;
	s8 =	simm.s32 @!p0 $0x1BF5;
	p2 =	por !p2, p0  }
0x20: {  	[sflag:s8] =	ssyncset.s32 @!p0 $0xFFFFF086;
	s6 =	sadd.s32 @!p0 s3, s7;
	s7 =	simm.s32 @!p0 $0x108  }
0x21: {  	s3 =	sadd.s32 s3, s9;
	s6 =	sadd.s32 @!p0 $0x88, s6;
	s7 =	simm.s32 @p2 $0x1082  }
0x22: {  	[simem:s7], [sflag:s8] =	dma.local @!p0 [hbm:s6], $0xF7A  }
0x23: {  	s9 =	sor.u32 $0xD0000000, s2;
	s6 =	simm.s32 $0x108;
	_ =	swait.ge @!p0 [sflag:s8], $0x0  }
0x24: {  	s3 =	sadd.s32 $0x88, s3;
	s6 =	simm.s32 @!p1 $0x1082;
	[sflag:s4] =	ssyncset.s32 $0xFFFFF086  }
0x25: {  	[simem:s6], [sflag:s4] =	dma.local [hbm:s3], $0xF7A  }
0x26: {  	[smem:$0x3F98] =	sst s1;
	(tag) =	ssettag s2;
	_ =	strace s9  }
0x27: {  	s1 =	sld [smem:$0x3FA8]  }
0x28: {  	s2 =	sld [smem:$0x3FA9]  }
0x29: {  	s4 =	sld [smem:$0x3FAB]  }
0x2a: {  	p0 =	seq.s32 s5, $0x0;
	s5 =	sld [smem:$0x3FAC]  }
0x2b: {  	s6 =	sld [smem:$0x3FAD]  }
0x2c: {  	s7 =	sld [smem:$0x3FAE]  }
0x2d: {  	s3 =	simm.s32 $0x108;
	s8 =	sld [smem:$0x3FAF]  }
0x2e: {  	s3 =	simm.s32 @!p0 $0x1082;
	s9 =	sld [smem:$0x3FB0]  }
0x2f: {  	lr =	sadd.s32 s0, s3;
	s0 =	sld [smem:$0x3FA7]  }
0x30: {  	s3 =	sld [smem:$0x3FAA]  }
0x31: {  	[smem:$0x3FB3] =	sst s10  }
0x32: {  	s10 =	sld [smem:$0x3FB1];
	_ =	sdelay $0x3  }
0x33: {  	p0 =	seq.s32 s10, $0x1;
	s10 =	sld [smem:$0x3FB3];
	_ =	sdelay $0x3  }
0x34: {  	[smem:$0x3FB3] =	sst s10  }
0x35: {  	s10 =	sld [smem:$0x3FB2];
	_ =	sdelay $0x3  }
0x36: {  	p1 =	seq.s32 s10, $0x1;
	s10 =	sld [smem:$0x3FB3];
	_ =	sdelay $0x3  }
0x37: {  	[smem:$0x3FB3] =	sst s10  }
0x38: {  	s10 =	sld [smem:$0x3FB4]  }
0x39: {  	_ = 	snop;
	(pc) =	sbr.ind lr, $3  }
0x3a: {  	_ = 	snop  }
0x3b: {  	_ = 	snop  }
0x3c: {  	p2 =	seq.s32 s10, $0x1;
	s10 =	sld [smem:$0x3FB3]  }
0x3d: {  	_ =	shalt  }
0x3e: {  	_ =	shalt  }
0x3f: {  	_ =	shalt  }
0x40: {  	_ =	shalt  }
0x41: {  	_ =	shalt  }
0x42: {  	_ =	shalt  }
0x43: {  	_ =	shalt  }
0x44: {  	_ =	shalt  }
0x45: {  	_ =	shalt  }
0x46: {  	_ =	shalt  }
0x47: {  	_ =	shalt  }
0x48: {  	_ =	shalt  }
0x49: {  	_ =	shalt  }
0x4a: {  	_ =	shalt  }
0x4b: {  	_ =	shalt  }
0x4c: {  	_ =	shalt  }
0x4d: {  	_ =	shalt  }
0x4e: {  	_ =	shalt  }
0x4f: {  	_ =	shalt  }
0x50: {  	_ =	shalt  }
0x51: {  	_ =	shalt  }
0x52: {  	_ =	shalt  }
0x53: {  	_ =	shalt  }
0x54: {  	_ =	shalt  }
0x55: {  	_ =	shalt  }
0x56: {  	_ =	shalt  }
0x57: {  	_ =	shalt  }
0x58: {  	_ =	shalt  }
0x59: {  	_ =	shalt  }
0x5a: {  	_ =	shalt  }
0x5b: {  	_ =	shalt  }
0x5c: {  	_ =	shalt  }
0x5d: {  	_ =	shalt  }
0x5e: {  	_ =	shalt  }
0x5f: {  	_ =	shalt  }
0x60: {  	_ =	shalt  }
0x61: {  	_ =	shalt  }
0x62: {  	_ =	shalt  }
0x63: {  	_ =	shalt  }
0x64: {  	_ =	shalt  }
0x65: {  	_ =	shalt  }
0x66: {  	_ =	shalt  }
0x67: {  	_ =	shalt  }
0x68: {  	_ =	shalt  }
0x69: {  	_ =	shalt  }
0x6a: {  	_ =	shalt  }
0x6b: {  	_ =	shalt  }
0x6c: {  	_ =	shalt  }
0x6d: {  	_ =	shalt  }
0x6e: {  	_ =	shalt  }
0x6f: {  	_ =	shalt  }
0x70: {  	_ =	shalt  }
0x71: {  	_ =	shalt  }
0x72: {  	_ =	shalt  }
0x73: {  	_ =	shalt  }
0x74: {  	_ =	shalt  }
0x75: {  	_ =	shalt  }
0x76: {  	_ =	shalt  }
0x77: {  	_ =	shalt  }
0x78: {  	_ =	shalt  }
0x79: {  	_ =	shalt  }
0x7a: {  	_ =	shalt  }
0x7b: {  	_ =	shalt  }
0x7c: {  	_ =	shalt  }
0x7d: {  	_ =	shalt  }
0x7e: {  	_ =	shalt  }
0x7f: {  	_ =	shalt  }
0x80: {  	_ =	shalt  }
0x81: {  	_ =	shalt  }
0x82: {  	_ =	shalt  }
0x83: {  	_ =	shalt  }
0x84: {  	_ =	shalt  }
0x85: {  	_ =	shalt  }
0x86: {  	_ =	shalt  }
0x87: {  	_ =	shalt  }
.Lfunc_end0:
.L_simem_size_0:
called_computation_lowered:
.L_overlay_start_0:
0x88: {  	s2 =	sld [smem:$0x3FD9]  }
0x89: {  	s3 =	sld [smem:$0x3FFE];
	_ =	sdelay $0x1  }
0x8a: {  	s1 =	srdreg.scid  }
0x8b: {  	s0 =	sand.u32 $0x1, s1  }
0x8c: {  	s17 =	sshll.u32 s0, $0xA;
	s2 =	sadd.s32 s3, s2  }
0x8d: {  	s2 =	sadd.s32 s2, s17  }
0x8e: {  	[smem:$0x3FBF] =	sst s2  }
0x8f: {  	_ = 	snop  }
0x90: {  	s2 =	sld [smem:$0x3FC8]  }
0x91: {  	s18 =	sld [smem:$0x3FC7]  }
0x92: {  	s4 =	sld [smem:$0x3FC6]  }
0x93: {  	s5 =	sld [smem:$0x3FD0];
	(tm) =	ssettm $0x1  }
0x94: {  	s6 =	sld [smem:$0x3FFB];
	_ =	sdelay $0x3  }
0x95: {  	_ =	strace s6  }
0x96: {  	s6 =	sld [smem:$0x3FFC];
	_ =	sdelay $0x3  }
0x97: {  	_ =	strace s6  }
0x98: {  	s6 =	sld [smem:$0x3FFD];
	_ =	sdelay $0x3  }
0x99: {  	_ =	strace s6  }
0x9a: {  	_ =	strace $0x8FFFFFFF  }
0x9b: {  	s19 =	sld [smem:$0x3FDB];
	_ =	sdelay $0x1  }
0x9c: {  	s7 =	simm.s32 $_scs_section_size  }
0x9d: {  	s8 =	simm.s32 $_size__tile_overlayer_lowered;
	s9 =	simm.s32 $_tile_overlayer_lowered  }
0x9e: {  	s22 =	simm.s32 $0x1BFF;
	s21 =	sshll.u32 s9, $0x1;
	s6 =	sadd.s32 s7, s19  }
0x9f: {  	s10 =	simm.s32 $0x0;
	s20 =	sshll.u32 s8, $0x1;
	s8 =	sadd.s32 s21, s6  }
0xa0: {  	[timem:s10], [sflag:s22] =	dma.local [hbm:s8], s20  }
0xa1: {  	_ =	swait.ge [sflag:s22], s20  }
0xa2: {  	s7 =	ssub.s32 $0x0, s20;
	[sflag:s22] =	ssyncset.done $0x0  }
0xa3: {  	[sflag:s22] =	ssyncadd.s32 s7;
	_ =	sdelay $0x1  }
0xa4: {  	s23 =	simm.s32 $0x1B8B  }
0xa5: {  	_ =	swait.ge [sflag:s23], $0x1  }
0xa6: {  	[sflag:s23] =	ssyncset.done $0x0  }
0xa7: {  	s25 =	simm.s32 $0x1B8E;
	s24 =	sld [smem:$0x3FFE];
	[sflag:s23] =	ssyncadd.s32 $0xFFFFFFFF  }
0xa8: {  	s26 =	simm.s32 $execute0_lowered;
	[smem:$0x3FD2] =	sst s25  }
0xa9: {  	s8 =	sshll.u32 s26, $0x1;
	_ =	strace $0x80000046;
	[dreg:$0x1] =	wrdreg $0xFFFFFFFF  }
0xaa: {  	s28 =	simm.s32 $_size_execute0_lowered;
	s6 =	sadd.s32 s6, s8;
	[dreg:$0x0] =	wrdreg $0x0  }
0xab: {  	s8 =	sshll.u32 s28, $0x1;
	[dreg:$0x2] =	wrdreg s6  }
0xac: {  	[dreg:$0x3] =	wrdreg s8  }
0xad: {  	[dreg:$0x4] =	wrdreg $0xC0  }
0xae: {  	_ =	task [dreg:s10], $0x5FFFF  }
0xaf: {  	[dreg:$0x1] =	wrdreg $0xFFFFFFFF  }
0xb0: {  	[dreg:$0x0] =	wrdreg $0x60  }
0xb1: {  	[dreg:$0x2] =	wrdreg s2  }
0xb2: {  	[dreg:$0x3] =	wrdreg s18  }
0xb3: {  	[dreg:$0x4] =	wrdreg s4  }
0xb4: {  	[dreg:$0x5] =	wrdreg s5  }
0xb5: {  	[dreg:$0x6] =	wrdreg s24  }
0xb6: {  	[dreg:$0x7] =	wrdreg $0x9  }
0xb7: {  	_ =	task.clear_ibuf [dreg:s10], $0x8FFFF;
	_ =	strace $0x90000046  }
0xb8: {  	s29 =	simm.s32 $0x9;
	_ =	strace $0x80000048  }
0xb9: {  	_ =	swait.ge [sflag:s29], $0x1  }
0xba: {  	[sflag:s29] =	ssyncadd.s32 $0xFFFFFFFF  }
0xbb: {  	_ =	strace $0x90000048  }
0xbc: {  	_ =	sfence  }
0xbd: {  	s30 =	sld [smem:$0x0];
	_ =	sdelay $0x2  }
0xbe: {  	s31 =	sshll.u32 s1, $0xD;
	s1 =	sshrl.u32 s1, $0x2  }
0xbf: {  	s3 =	sand.u32 $0x4000, s31;
	s1 =	sadd.s32 s1, s30  }
0xc0: {  	s0 =	sor.u32 s3, s0;
	s1 =	sshll.u32 s1, $0x11  }
0xc1: {  	s0 =	sor.u32 s1, s0  }
0xc2: {  	s0 =	sadd.s32 $0x8F2B, s0  }
0xc3: {  	[sflag:s0] =	ssyncadd.remote.s32 $0x1  }
0xc4: {  	_ =	sfence.sel $0xFFFF  }
0xc5: {  	[dreg:$0x0] =	wrdreg $0xFFFFFFFF;
	(pc) =	sbr.abs _section_cstart, $3  }
0xc6: {  	[dreg:$0x1] =	wrdreg $0xFFFFFFFF  }
0xc7: {  	_ =	task.clear_ibuf [dreg:s10], $0x2FFFF;
	_ =	strace $0x9FFFFFFF  }
0xc8: {  	(tm) =	ssettm $0x7FFFFFFF  }
0xc9: {  	_ =	shalt  }
tec
execute0_lowered:
.L_overlay_start_1:
0x0: {  	(tag) =	ssettag $0x1  }
0x1: {  	s0 =	rddreg [dreg:$0x0]  }
0x2: {  	s4 =	rddreg [dreg:$0x1]  }
0x3: {  	s5 =	rddreg [dreg:$0x2]  }
0x4: {  	s6 =	rddreg [dreg:$0x3];
	s2 =	srdreg.scid  }
0x5: {  	s1 =	stileid.u32;
	s7 =	rddreg [dreg:$0x4];
	s3 =	simm.s32 $0x0  }
0x6: {  	s11 =	simm.s32 $0x1;
	s12 =	simm.s32 $0x2;
	s13 =	simm.s32 $0x7680  }
0x7: {  	s14 =	simm.s32 $0x3;
	s8 =	sand.u32 $0x1, s2;
	s9 =	sshll.u32 s1, $0x1  }
0x8: {  	s15 =	simm.s32 $0x9E00;
	s16 =	simm.s32 $0x0;
	s9 =	sor.u32 s8, s9  }
0x9: {  	[smem:$0x7FF] =	sst s3;
	s8 =	ssub.s32 $0x2, s8;
	s9 =	smul.u32 $0x4E2, s9  }
0xa: {  	s2 =	rddreg [dreg:$0x5];
	_ =	strace $0x80000047;
	s10 =	sshrl.u32 s8, $0x1  }
0xb: {  	s8 =	ssub.s32 s8, s10;
	s10 =	simm.s32 $0x4F00;
	s7 =	sadd.s32 s9, s7  }
0xc: {  	s4 =	sadd.s32 s4, s9;
	s5 =	sadd.s32 s5, s9;
	s6 =	sadd.s32 s6, s9  }
0xd: {  	s8 =	smax.u32 s8, $0x1;
	s9 =	simm.s32 $0x2780;
	s7 =	sadd.s32 $0x1200, s7  }
.LBB2_1:
0xe: {  	[tilespmem:s3], [sflag:$0x1] =	stream.linear.gather [hbm4b:s0+s3], $0x2780, $0x38;
	[tilespmem:$0xC580] =	vst v63  }
0xf: {  	_ = 	snop  }
0x10: {  	[tilespmem:s9], [sflag:$0x2] =	stream.linear.gather [hbm4b:s4+s3], $0x2710, $0x38;
	[tilespmem:$0xC580] =	vst v63  }
0x11: {  	_ = 	snop  }
0x12: {  	[tilespmem:s10], [sflag:$0x3] =	stream.linear.gather [hbm4b:s5+s3], $0x2710, $0x38;
	[tilespmem:$0xC580] =	vst v63  }
0x13: {  	_ =	swait.ge [sflag:s11], $0x2780  }
0x14: {  	[sflag:s11] =	ssyncset.done $0x0  }
0x15: {  	[sflag:s11] =	ssyncadd.s32 $0xFFFFD880  }
0x16: {  	_ =	swait.ge [sflag:s12], $0x2710  }
0x17: {  	[sflag:s12] =	ssyncset.done $0x0  }
0x18: {  	s17 =	simm.s32 $0x0;
	[sflag:s12] =	ssyncadd.s32 $0xFFFFD8F0  }
0x19: {  	v0 =	vld [tilespmem:s17+$0x2780];
	_ =	sdelay $0x7  }
0x1a: {  	s18 =	simm.s32 $0x10;
	s19 =	simm.s32 $0x80;
	v0 =	vld.idx.msk [tilespmem:v0+s3+$0x0], $0xffff  }
.LBB2_2:
0x1b: {  	p0 =	sne.s32 s19, $0x9C00;
	v1 =	vld [tilespmem:s18+$0x2780];
	_ =	sdelay $0x3  }
.Ltmp0:
0x1c: {  	(pc) =	sbr.rel @p0 .LBB2_2-.Ltmp0, $2  }
0x1d: {  	[tilespmem:s17+$0x7680] =	vst v0;
	s17 =	smov.u32 s18;
	_ =	sdelay $0x2  }
0x1e: {  	s18 =	sshra.s32 s19, $0x2;
	s19 =	sadd.s32 $0x40, s19;
	v0 =	vld.idx.msk [tilespmem:v1+s3+$0x0], $0xffff  }
0x1f: {  	v1 =	vld [tilespmem:s18+$0x2780];
	_ =	sdelay $0x6  }
0x20: {  	[tilespmem:s17+$0x7680] =	vst v0  }
0x21: {  	v0 =	vld.idx.msk [tilespmem:v1+s3+$0x0], $0xffff;
	_ =	sdelay $0x4  }
0x22: {  	s31 =	simm.s32 $0x0;
	[tilespmem:s18+$0x7680] =	vst v0  }
0x23: {  	[hbm4b:s6+s31] =	stream.linear.scatter [tilespmem:s13], [sflag:$0x2], $0x2710, $0x38;
	[tilespmem:$0xC580] =	vst v63  }
0x24: {  	_ =	swait.ge [sflag:s14], $0x2710  }
0x25: {  	[sflag:s14] =	ssyncset.done $0x0  }
0x26: {  	s17 =	simm.s32 $0x0;
	[sflag:s14] =	ssyncadd.s32 $0xFFFFD8F0  }
0x27: {  	v0 =	vld [tilespmem:s17+$0x4F00];
	_ =	sdelay $0x7  }
0x28: {  	s19 =	simm.s32 $0x80;
	s18 =	simm.s32 $0x10;
	v0 =	vld.idx.msk [tilespmem:v0+s3+$0x0], $0xffff  }
.LBB2_4:
0x29: {  	p0 =	sne.s32 s19, $0x9C00;
	v1 =	vld [tilespmem:s18+$0x4F00];
	_ =	sdelay $0x3  }
.Ltmp1:
0x2a: {  	(pc) =	sbr.rel @p0 .LBB2_4-.Ltmp1, $2  }
0x2b: {  	[tilespmem:s17+$0x9E00] =	vst v0;
	s17 =	smov.u32 s18;
	_ =	sdelay $0x2  }
0x2c: {  	s18 =	sshra.s32 s19, $0x2;
	s19 =	sadd.s32 $0x40, s19;
	v0 =	vld.idx.msk [tilespmem:v1+s3+$0x0], $0xffff  }
0x2d: {  	v1 =	vld [tilespmem:s18+$0x4F00];
	_ =	sdelay $0x6  }
0x2e: {  	[tilespmem:s17+$0x9E00] =	vst v0  }
0x2f: {  	v0 =	vld.idx.msk [tilespmem:v1+s3+$0x0], $0xffff;
	_ =	sdelay $0x4  }
0x30: {  	s16 =	sadd.s32 $0x1, s16;
	[tilespmem:s18+$0x9E00] =	vst v0  }
0x31: {  	[hbm4b:s7+s3] =	stream.linear.scatter [tilespmem:s15], [sflag:$0x3], $0x2710, $0x38;
	[tilespmem:$0xC580] =	vst v63  }
0x32: {  	p0 =	sne.s32 s16, s8;
	_ =	swait.ge [sflag:s12], $0x2710  }
.Ltmp2:
0x33: {  	[sflag:s12] =	ssyncset.done $0x0;
	(pc) =	sbr.rel @p0 .LBB2_1-.Ltmp2, $4  }
0x34: {  	[sflag:s12] =	ssyncadd.s32 $0xFFFFD8F0  }
0x35: {  	_ =	swait.ge [sflag:s14], $0x2710  }
0x36: {  	[sflag:s14] =	ssyncset.done $0x0  }
0x37: {  	[sflag:s14] =	ssyncadd.s32 $0xFFFFD8F0  }
0x38: {  	_ =	sfence.sel $0x180000  }
0x39: {  	[bflag:$0x0] =	sbarrier.arrive $0xFFFF  }
0x3a: {  	p0 =	sne.s32 s1, $0x0;
	_ =	strace $0x90000047  }
0x3b: {  	s0 =	sadd.s32 @!p0 $0x100000, s2;
	[bflag:$0x2] =	sbarrier.arrive $0xFFFF  }
0x3c: {  	[sflag:s0] =	ssyncadd.tile.s32 @!p0 $0x1;
	_ =	shalt  }
.Lfunc_end2:
_tile_overlayer_lowered:
.L_overlay_start_2:
0x3d: {  	(tag) =	ssettag $0x2  }
0x3e: {  	s0 =	rddreg [dreg:$0x0];
	s2 =	stileid.u32  }
0x3f: {  	s1 =	rddreg [dreg:$0x1];
	p0 =	sne.s32 s2, $0x0  }
0x40: {  	s3 =	rddreg [dreg:$0x2];
	[bflag:$0x3] =	sbarrier.arrive $0xFFFF;
	s2 =	simm.s32 @!p0 $0x1C04  }
0x41: {  	[timem:s3], [sflag:s2] =	dma.local @!p0 [hbm:s0], s1  }
0x42: {  	s0 =	simm.s32 @!p0 $0x4  }
0x43: {  	_ =	swait.ge @!p0 [sflag:s0], s1  }
0x44: {  	s1 =	ssub.s32 @!p0 $0x0, s1;
	[sflag:s0] =	ssyncset.done @!p0 $0x0  }
0x45: {  	[sflag:s0] =	ssyncadd.s32 @!p0 s1  }
0x46: {  	[bflag:$0x3] =	sbarrier.arrive $0xFFFF  }
0x47: {  	_ =	shalt  }

</sc_bundles>
